<compile_context>
chip_gen: v7x
topology: tpu7x:2x2x1
jax: 0.10.2.dev20260603
libtpu: 0.0.44.dev20260713+nightly
codegen_flags: <defaults>
</compile_context>

<pallas_src>
import functools

import jax
import jax.numpy as jnp
from jax import lax
from jax.experimental import pallas as pl
from jax.experimental.pallas import tpu as pltpu
from jax.experimental.pallas import tpu_sc as plsc

_LANES = 16
_NUM_CORES = 2
_NUM_SUBCORES = 16
_NUM_WORKERS = _NUM_CORES * _NUM_SUBCORES


def _mf_body(uid_hbm, iid_hbm, uemb_hbm, iemb_hbm, ubias_hbm, ibias_hbm,
             gbias_hbm, out_hbm,
             uid_v, iid_v, urows_v, irows_v, ubias_v, ibias_v, gb_v, out_v,
             sem):
    d_dim = uemb_hbm.shape[1]
    b_per_w = uid_v.shape[0]
    wid = lax.axis_index("s") * _NUM_CORES + lax.axis_index("c")
    base = wid * b_per_w

    pltpu.sync_copy(uid_hbm.at[pl.ds(base, b_per_w)], uid_v)
    pltpu.sync_copy(iid_hbm.at[pl.ds(base, b_per_w)], iid_v)
    cp_u = pltpu.async_copy(uemb_hbm.at[uid_v], urows_v, sem)
    cp_i = pltpu.async_copy(iemb_hbm.at[iid_v], irows_v, sem)
    cp_ub = pltpu.async_copy(ubias_hbm.at[uid_v], ubias_v, sem)
    cp_ib = pltpu.async_copy(ibias_hbm.at[iid_v], ibias_v, sem)
    pltpu.sync_copy(gbias_hbm, gb_v)
    cp_u.wait()
    cp_i.wait()
    cp_ub.wait()
    cp_ib.wait()

    lane = lax.iota(jnp.int32, _LANES)
    gb = gb_v[...]

    def group_body(g, carry):
        acc0 = (ubias_v[pl.ds(g * _LANES, _LANES)]
                + ibias_v[pl.ds(g * _LANES, _LANES)]
                + gb)
        row = g * _LANES + lane

        def d_body(d, acc):
            col = jnp.full((_LANES,), d, jnp.int32)
            gu = plsc.load_gather(urows_v, [row, col])
            gi = plsc.load_gather(irows_v, [row, col])
            return acc + gu * gi

        acc = lax.fori_loop(0, d_dim, d_body, acc0)
        out_v[pl.ds(g * _LANES, _LANES)] = acc
        return carry

    lax.fori_loop(0, b_per_w // _LANES, group_body, 0)
    pltpu.sync_copy(out_v, out_hbm.at[pl.ds(base, b_per_w)])


def kernel(user_ids, item_ids, user_emb_w, item_emb_w, user_bias_w,
           item_bias_w, global_bias):
    batch = user_ids.shape[0]
    d_dim = user_emb_w.shape[1]
    b_per_w = batch // _NUM_WORKERS

    mesh = plsc.VectorSubcoreMesh(core_axis_name="c", subcore_axis_name="s",
                                  num_cores=_NUM_CORES,
                                  num_subcores=_NUM_SUBCORES)
    k = pl.kernel(
        _mf_body,
        out_type=jax.ShapeDtypeStruct((batch,), jnp.float32),
        mesh=mesh,
        compiler_params=pltpu.CompilerParams(needs_layout_passes=False,
                                             use_tc_tiling_on_sc=False),
        scratch_types=[
            pltpu.VMEM((b_per_w,), jnp.int32),
            pltpu.VMEM((b_per_w,), jnp.int32),
            pltpu.VMEM((b_per_w, d_dim), jnp.float32),
            pltpu.VMEM((b_per_w, d_dim), jnp.float32),
            pltpu.VMEM((b_per_w,), jnp.float32),
            pltpu.VMEM((b_per_w,), jnp.float32),
            pltpu.VMEM((_LANES,), jnp.float32),
            pltpu.VMEM((b_per_w,), jnp.float32),
            pltpu.SemaphoreType.DMA,
        ],
    )
    gbias_lanes = jnp.broadcast_to(global_bias, (_LANES,))
    return k(user_ids.astype(jnp.int32), item_ids.astype(jnp.int32),
             user_emb_w, item_emb_w,
             user_bias_w.reshape(-1), item_bias_w.reshape(-1), gbias_lanes)

# --- scband reference (transcript-rebuilt; emitter-appended) ---
"""Pipeline reference for scband-matrix-factorization-31155692765467 (READ-ONLY COPY).

The authoritative reference and input builder live on the scoring server;
editing this copy changes nothing except your own understanding.
"""

import jax, jax.numpy as jnp
import numpy as np

NUM_USERS = 1000000
NUM_ITEMS = 1000000
EMBED_DIM = 64
BATCH = 16384


def setup_inputs(seed: int = 0) -> dict:
    key = jax.random.key(seed)
    k1, k2, k3, k4 = jax.random.split(key, 4)
    user_ids = jax.random.randint(k1, (BATCH,), 0, NUM_USERS, dtype=jnp.int64 if jax.config.read('jax_enable_x64') else jnp.int32)
    item_ids = jax.random.randint(k2, (BATCH,), 0, NUM_ITEMS, dtype=jnp.int64 if jax.config.read('jax_enable_x64') else jnp.int32)
    # xavier_normal for embeddings: std = sqrt(2/(fan_in+fan_out))
    std_u = float(np.sqrt(2.0 / (NUM_USERS + EMBED_DIM)))
    std_i = float(np.sqrt(2.0 / (NUM_ITEMS + EMBED_DIM)))
    user_emb_w = jax.random.normal(k3, (NUM_USERS, EMBED_DIM), dtype=jnp.float32) * std_u
    item_emb_w = jax.random.normal(k4, (NUM_ITEMS, EMBED_DIM), dtype=jnp.float32) * std_i
    user_bias_w = jnp.zeros((NUM_USERS, 1), dtype=jnp.float32)
    item_bias_w = jnp.zeros((NUM_ITEMS, 1), dtype=jnp.float32)
    global_bias = jnp.zeros((1,), dtype=jnp.float32)
    return {
        'user_ids': user_ids,
        'item_ids': item_ids,
        'user_emb_w': user_emb_w,
        'item_emb_w': item_emb_w,
        'user_bias_w': user_bias_w,
        'item_bias_w': item_bias_w,
        'global_bias': global_bias,
    }


def reference(user_ids, item_ids, user_emb_w, item_emb_w, user_bias_w, item_bias_w, global_bias):
    user_emb = jnp.take(user_emb_w, user_ids, axis=0)  # [B, D]
    item_emb = jnp.take(item_emb_w, item_ids, axis=0)  # [B, D]
    scores = (user_emb * item_emb).sum(axis=1)  # [B]
    scores = scores + jnp.take(user_bias_w, user_ids, axis=0).squeeze()
    scores = scores + jnp.take(item_bias_w, item_ids, axis=0).squeeze()
    scores = scores + global_bias
    return scores

if __name__ == "__main__":
    import jax
    _d = setup_inputs()
    print(jax.jit(kernel)(*tuple(_d.values())))

</pallas_src>

<mosaic_0001>
#map = affine_map<(d0, d1) -> (0)>
#map1 = affine_map<(d0, d1) -> (0, 0)>
module attributes {stable_mosaic.version = 14 : i64} {
  func.func @_mf_body(%arg0: i32, %arg1: i32, %arg2: memref<16384xi32, #tpu.memory_space<hbm>>, %arg3: memref<16384xi32, #tpu.memory_space<hbm>>, %arg4: memref<1000000x64xf32, #tpu.memory_space<hbm>>, %arg5: memref<1000000x64xf32, #tpu.memory_space<hbm>>, %arg6: memref<1000000xf32, #tpu.memory_space<hbm>>, %arg7: memref<1000000xf32, #tpu.memory_space<hbm>>, %arg8: memref<16xf32, #tpu.memory_space<hbm>>, %arg9: memref<16384xf32, #tpu.memory_space<hbm>>, %arg10: memref<512xi32, #tpu.memory_space<vmem>>, %arg11: memref<512xi32, #tpu.memory_space<vmem>>, %arg12: memref<512x64xf32, #tpu.memory_space<vmem>>, %arg13: memref<512x64xf32, #tpu.memory_space<vmem>>, %arg14: memref<512xf32, #tpu.memory_space<vmem>>, %arg15: memref<512xf32, #tpu.memory_space<vmem>>, %arg16: memref<16xf32, #tpu.memory_space<vmem>>, %arg17: memref<512xf32, #tpu.memory_space<vmem>>, %arg18: memref<!tpu.dma_semaphore, #tpu.memory_space<semaphore_mem>>) attributes {dimension_semantics = [#tpu.dimension_semantics<core_parallel>, #tpu.dimension_semantics<subcore_parallel>], iteration_bounds = array<i64: 2, 16>, scalar_prefetch = 0 : i64, scratch_operands = 9 : i64, tpu.core_type = #tpu.core_type<sc_vector_subcore>, window_params = [{transform_indices = #map}, {transform_indices = #map}, {transform_indices = #map1}, {transform_indices = #map1}, {transform_indices = #map}, {transform_indices = #map}, {transform_indices = #map}, {transform_indices = #map}]} {
    %mul3A = arith.constant 2 : i32
    %mul3A_0 = arith.muli %arg1, %mul3A : i32
    %add3A = arith.addi %mul3A_0, %arg0 : i32
    %mul3A_1 = arith.constant 512 : i32
    %mul3A_2 = arith.muli %add3A, %mul3A_1 : i32
    "tpu.region"() ({
      %run_scoped3A = tpu.sem_alloc : memref<!tpu.dma_semaphore, #tpu.memory_space<semaphore_mem>>
      %dma_start3A_27 = tpu.memref_slice %arg2[%mul3A_2] : memref<16384xi32, #tpu.memory_space<hbm>> -> memref<512xi32, #tpu.memory_space<hbm>>
      %dma_start3A_28 = tpu.memref_slice %arg2[%mul3A_2] : memref<16384xi32, #tpu.memory_space<hbm>> -> memref<512xi32, #tpu.memory_space<hbm>>
      tpu.enqueue_dma source(%dma_start3A_28 : memref<512xi32, #tpu.memory_space<hbm>>) target(%arg10 : memref<512xi32, #tpu.memory_space<vmem>>) target_semaphore(%run_scoped3A : memref<!tpu.dma_semaphore, #tpu.memory_space<semaphore_mem>>)
      %dma_wait3A_29 = tpu.memref_slice %arg2[%mul3A_2] : memref<16384xi32, #tpu.memory_space<hbm>> -> memref<512xi32, #tpu.memory_space<hbm>>
      %dma_wait3A_30 = tpu.memref_slice %arg2[%mul3A_2] : memref<16384xi32, #tpu.memory_space<hbm>> -> memref<512xi32, #tpu.memory_space<hbm>>
      tpu.wait_dma2 semaphore(%run_scoped3A : memref<!tpu.dma_semaphore, #tpu.memory_space<semaphore_mem>>) src(%dma_wait3A_30 : memref<512xi32, #tpu.memory_space<hbm>>) dst(%arg10 : memref<512xi32, #tpu.memory_space<vmem>>)
      tpu.yield
    }) : () -> ()
    "tpu.region"() ({
      %run_scoped3A = tpu.sem_alloc : memref<!tpu.dma_semaphore, #tpu.memory_space<semaphore_mem>>
      %dma_start3A_27 = tpu.memref_slice %arg3[%mul3A_2] : memref<16384xi32, #tpu.memory_space<hbm>> -> memref<512xi32, #tpu.memory_space<hbm>>
      %dma_start3A_28 = tpu.memref_slice %arg3[%mul3A_2] : memref<16384xi32, #tpu.memory_space<hbm>> -> memref<512xi32, #tpu.memory_space<hbm>>
      tpu.enqueue_dma source(%dma_start3A_28 : memref<512xi32, #tpu.memory_space<hbm>>) target(%arg11 : memref<512xi32, #tpu.memory_space<vmem>>) target_semaphore(%run_scoped3A : memref<!tpu.dma_semaphore, #tpu.memory_space<semaphore_mem>>)
      %dma_wait3A_29 = tpu.memref_slice %arg3[%mul3A_2] : memref<16384xi32, #tpu.memory_space<hbm>> -> memref<512xi32, #tpu.memory_space<hbm>>
      %dma_wait3A_30 = tpu.memref_slice %arg3[%mul3A_2] : memref<16384xi32, #tpu.memory_space<hbm>> -> memref<512xi32, #tpu.memory_space<hbm>>
      tpu.wait_dma2 semaphore(%run_scoped3A : memref<!tpu.dma_semaphore, #tpu.memory_space<semaphore_mem>>) src(%dma_wait3A_30 : memref<512xi32, #tpu.memory_space<hbm>>) dst(%arg11 : memref<512xi32, #tpu.memory_space<vmem>>)
      tpu.yield
    }) : () -> ()
    %dma_start3A = arith.constant 0 : i32
    %dma_start3A_3 = arith.constant 0 : i32
    %dma_start3A_4 = tpu.memref_slice %arg4[%dma_start3A, %dma_start3A_3] : memref<1000000x64xf32, #tpu.memory_space<hbm>> -> memref<1000000x64xf32, #tpu.memory_space<hbm>>
    tpu.enqueue_indirect_dma source(%dma_start3A_4 : memref<1000000x64xf32, #tpu.memory_space<hbm>>) target(%arg12 : memref<512x64xf32, #tpu.memory_space<vmem>>) offsets(%arg10 : memref<512xi32, #tpu.memory_space<vmem>>) semaphore(%arg18 : memref<!tpu.dma_semaphore, #tpu.memory_space<semaphore_mem>>)
    %dma_start3A_5 = arith.constant 0 : i32
    %dma_start3A_6 = arith.constant 0 : i32
    %dma_start3A_7 = tpu.memref_slice %arg5[%dma_start3A_5, %dma_start3A_6] : memref<1000000x64xf32, #tpu.memory_space<hbm>> -> memref<1000000x64xf32, #tpu.memory_space<hbm>>
    tpu.enqueue_indirect_dma source(%dma_start3A_7 : memref<1000000x64xf32, #tpu.memory_space<hbm>>) target(%arg13 : memref<512x64xf32, #tpu.memory_space<vmem>>) offsets(%arg11 : memref<512xi32, #tpu.memory_space<vmem>>) semaphore(%arg18 : memref<!tpu.dma_semaphore, #tpu.memory_space<semaphore_mem>>)
    %dma_start3A_8 = arith.constant 0 : i32
    %dma_start3A_9 = tpu.memref_slice %arg6[%dma_start3A_8] : memref<1000000xf32, #tpu.memory_space<hbm>> -> memref<1000000xf32, #tpu.memory_space<hbm>>
    tpu.enqueue_indirect_dma source(%dma_start3A_9 : memref<1000000xf32, #tpu.memory_space<hbm>>) target(%arg14 : memref<512xf32, #tpu.memory_space<vmem>>) offsets(%arg10 : memref<512xi32, #tpu.memory_space<vmem>>) semaphore(%arg18 : memref<!tpu.dma_semaphore, #tpu.memory_space<semaphore_mem>>)
    %dma_start3A_10 = arith.constant 0 : i32
    %dma_start3A_11 = tpu.memref_slice %arg7[%dma_start3A_10] : memref<1000000xf32, #tpu.memory_space<hbm>> -> memref<1000000xf32, #tpu.memory_space<hbm>>
    tpu.enqueue_indirect_dma source(%dma_start3A_11 : memref<1000000xf32, #tpu.memory_space<hbm>>) target(%arg15 : memref<512xf32, #tpu.memory_space<vmem>>) offsets(%arg11 : memref<512xi32, #tpu.memory_space<vmem>>) semaphore(%arg18 : memref<!tpu.dma_semaphore, #tpu.memory_space<semaphore_mem>>)
    "tpu.region"() ({
      %run_scoped3A = tpu.sem_alloc : memref<!tpu.dma_semaphore, #tpu.memory_space<semaphore_mem>>
      tpu.enqueue_dma source(%arg8 : memref<16xf32, #tpu.memory_space<hbm>>) target(%arg16 : memref<16xf32, #tpu.memory_space<vmem>>) target_semaphore(%run_scoped3A : memref<!tpu.dma_semaphore, #tpu.memory_space<semaphore_mem>>)
      tpu.wait_dma2 semaphore(%run_scoped3A : memref<!tpu.dma_semaphore, #tpu.memory_space<semaphore_mem>>) src(%arg8 : memref<16xf32, #tpu.memory_space<hbm>>) dst(%arg16 : memref<16xf32, #tpu.memory_space<vmem>>)
      tpu.yield
    }) : () -> ()
    %dma_wait3A = arith.constant 0 : i32
    %dma_wait3A_12 = arith.constant 0 : i32
    %dma_wait3A_13 = tpu.memref_slice %arg4[%dma_wait3A, %dma_wait3A_12] : memref<1000000x64xf32, #tpu.memory_space<hbm>> -> memref<1000000x64xf32, #tpu.memory_space<hbm>>
    tpu.wait_indirect_dma semaphore(%arg18 : memref<!tpu.dma_semaphore, #tpu.memory_space<semaphore_mem>>) src(%dma_wait3A_13 : memref<1000000x64xf32, #tpu.memory_space<hbm>>) dst(%arg12 : memref<512x64xf32, #tpu.memory_space<vmem>>)
    %dma_wait3A_14 = arith.constant 0 : i32
    %dma_wait3A_15 = arith.constant 0 : i32
    %dma_wait3A_16 = tpu.memref_slice %arg5[%dma_wait3A_14, %dma_wait3A_15] : memref<1000000x64xf32, #tpu.memory_space<hbm>> -> memref<1000000x64xf32, #tpu.memory_space<hbm>>
    tpu.wait_indirect_dma semaphore(%arg18 : memref<!tpu.dma_semaphore, #tpu.memory_space<semaphore_mem>>) src(%dma_wait3A_16 : memref<1000000x64xf32, #tpu.memory_space<hbm>>) dst(%arg13 : memref<512x64xf32, #tpu.memory_space<vmem>>)
    %dma_wait3A_17 = arith.constant 0 : i32
    %dma_wait3A_18 = tpu.memref_slice %arg6[%dma_wait3A_17] : memref<1000000xf32, #tpu.memory_space<hbm>> -> memref<1000000xf32, #tpu.memory_space<hbm>>
    tpu.wait_indirect_dma semaphore(%arg18 : memref<!tpu.dma_semaphore, #tpu.memory_space<semaphore_mem>>) src(%dma_wait3A_18 : memref<1000000xf32, #tpu.memory_space<hbm>>) dst(%arg14 : memref<512xf32, #tpu.memory_space<vmem>>)
    %dma_wait3A_19 = arith.constant 0 : i32
    %dma_wait3A_20 = tpu.memref_slice %arg7[%dma_wait3A_19] : memref<1000000xf32, #tpu.memory_space<hbm>> -> memref<1000000xf32, #tpu.memory_space<hbm>>
    tpu.wait_indirect_dma semaphore(%arg18 : memref<!tpu.dma_semaphore, #tpu.memory_space<semaphore_mem>>) src(%dma_wait3A_20 : memref<1000000xf32, #tpu.memory_space<hbm>>) dst(%arg15 : memref<512xf32, #tpu.memory_space<vmem>>)
    %iota3A = tpu.iota {dimensions = array<i32: 0>} : vector<16xi32>
    %get3A = arith.constant 0 : index
    %get3A_21 = tpu.vector_load %arg16[%get3A] {strides = array<i32>} : memref<16xf32, #tpu.memory_space<vmem>>, vector<16xf32>,
    %scan3A = arith.constant 0 : i32
    %scan3A_22 = arith.constant 0 : i32
    %scan3A_23 = arith.constant 32 : i32
    %scan3A_24 = arith.addi %scan3A_22, %scan3A_23 : i32
    %scan3A_25 = arith.constant 1 : i32
    scf.for %scan3A_27 = %scan3A_22 to %scan3A_24 step %scan3A_25  : i32 {
      %mul3A_28 = arith.constant 16 : i32
      %mul3A_29 = arith.muli %scan3A_27, %mul3A_28 : i32
      %get3A_30 = arith.index_cast %mul3A_29 : i32 to index
      %get3A_31 = tpu.vector_load %arg14[%get3A_30] {strides = array<i32>} : memref<512xf32, #tpu.memory_space<vmem>>, vector<16xf32>,
      %mul3A_32 = arith.constant 16 : i32
      %mul3A_33 = arith.muli %scan3A_27, %mul3A_32 : i32
      %get3A_34 = arith.index_cast %mul3A_33 : i32 to index
      %get3A_35 = tpu.vector_load %arg15[%get3A_34] {strides = array<i32>} : memref<512xf32, #tpu.memory_space<vmem>>, vector<16xf32>,
      %add3A_36 = arith.addf %get3A_31, %get3A_35 : vector<16xf32>
      %add3A_37 = arith.addf %add3A_36, %get3A_21 : vector<16xf32>
      %mul3A_38 = arith.constant 16 : i32
      %mul3A_39 = arith.muli %scan3A_27, %mul3A_38 : i32
      %add3A_40 = vector.broadcast %mul3A_39 : i32 to vector<16xi32>
      %add3A_41 = arith.addi %add3A_40, %iota3A : vector<16xi32>
      %scan3A_42 = arith.constant 0 : i32
      %scan3A_43 = arith.constant 64 : i32
      %scan3A_44 = arith.addi %scan3A_42, %scan3A_43 : i32
      %scan3A_45 = arith.constant 1 : i32
      %scan3A_46 = scf.for %scan3A_51 = %scan3A_42 to %scan3A_44 step %scan3A_45 iter_args(%scan3A_52 = %add3A_37) -> (vector<16xf32>)  : i32 {
        %broadcast_in_dim3A = vector.broadcast %scan3A_51 : i32 to vector<16xi32>
        %gather3A = tpu.vector_load_idx %arg12[%add3A_41, %broadcast_in_dim3A] : memref<512x64xf32, #tpu.memory_space<vmem>>[vector<16xi32>, vector<16xi32>], vector<16xf32>,
        %gather3A_53 = tpu.vector_load_idx %arg13[%add3A_41, %broadcast_in_dim3A] : memref<512x64xf32, #tpu.memory_space<vmem>>[vector<16xi32>, vector<16xi32>], vector<16xf32>,
        %mul3A_54 = arith.mulf %gather3A, %gather3A_53 : vector<16xf32>
        %add3A_55 = arith.addf %scan3A_52, %mul3A_54 : vector<16xf32>
        scf.yield %add3A_55 : vector<16xf32>
      }
      %scan3A_47 = arith.constant 64 : i32
      %mul3A_48 = arith.constant 16 : i32
      %mul3A_49 = arith.muli %scan3A_27, %mul3A_48 : i32
      %swap3A = arith.index_cast %mul3A_49 : i32 to index
      %swap3A_50 = tpu.vector_load %arg17[%swap3A] {strides = array<i32>} : memref<512xf32, #tpu.memory_space<vmem>>, vector<16xf32>,
      tpu.vector_store %arg17[%swap3A], %scan3A_46 {strides = array<i32>} : memref<512xf32, #tpu.memory_space<vmem>>, vector<16xf32>,
    }
    %scan3A_26 = arith.constant 32 : i32
    "tpu.region"() ({
      %run_scoped3A = tpu.sem_alloc : memref<!tpu.dma_semaphore, #tpu.memory_space<semaphore_mem>>
      %dma_start3A_27 = tpu.memref_slice %arg9[%mul3A_2] : memref<16384xf32, #tpu.memory_space<hbm>> -> memref<512xf32, #tpu.memory_space<hbm>>
      %dma_start3A_28 = tpu.memref_slice %arg9[%mul3A_2] : memref<16384xf32, #tpu.memory_space<hbm>> -> memref<512xf32, #tpu.memory_space<hbm>>
      tpu.enqueue_dma source(%arg17 : memref<512xf32, #tpu.memory_space<vmem>>) target(%dma_start3A_28 : memref<512xf32, #tpu.memory_space<hbm>>) target_semaphore(%run_scoped3A : memref<!tpu.dma_semaphore, #tpu.memory_space<semaphore_mem>>)
      %dma_wait3A_29 = tpu.memref_slice %arg9[%mul3A_2] : memref<16384xf32, #tpu.memory_space<hbm>> -> memref<512xf32, #tpu.memory_space<hbm>>
      %dma_wait3A_30 = tpu.memref_slice %arg9[%mul3A_2] : memref<16384xf32, #tpu.memory_space<hbm>> -> memref<512xf32, #tpu.memory_space<hbm>>
      tpu.wait_dma2 semaphore(%run_scoped3A : memref<!tpu.dma_semaphore, #tpu.memory_space<semaphore_mem>>) src(%arg17 : memref<512xf32, #tpu.memory_space<vmem>>) dst(%dma_wait3A_30 : memref<512xf32, #tpu.memory_space<hbm>>)
      tpu.yield
    }) : () -> ()
    return
  }
}

</mosaic_0001>

<sc_bundles>
// kernel: kernel.3.cloned.1.call-start
scs
__scs_entry_jumppad:
0x0: {  	(pc) =	sbr.rel $0x88, $3  }
0x1: {  	(tag) =	ssettag $0x0;
	lr =	simm.s32 $0x1  }
0x2: {  	[smem:$0x3F9A] =	sst lr;
	_ =	strace $0xD0000000  }
0x3: {  	_ = 	snop  }
0x4: {  	_ = 	snop  }
0x5: {  	_ = 	snop  }
0x6: {  	_ = 	snop  }
0x7: {  	_ = 	snop  }
__scs_overlays_trampoline_lowered:
0x8: {  	[smem:$0x3FA9] =	sst s0  }
0x9: {  	[smem:$0x3FAA] =	sst s1  }
0xa: {  	[smem:$0x3FAB] =	sst s2  }
0xb: {  	[smem:$0x3FAC] =	sst s3  }
0xc: {  	[smem:$0x3FAD] =	sst s4  }
0xd: {  	[smem:$0x3FAE] =	sst s5  }
0xe: {  	[smem:$0x3FAF] =	sst s6  }
0xf: {  	[smem:$0x3FB0] =	sst s7  }
0x10: {  	[smem:$0x3FB1] =	sst s8  }
0x11: {  	[smem:$0x3FB2] =	sst s9;
	s0 =	simm.s32 @!p0 $0x0  }
0x12: {  	s1 =	sld [smem:$0x3F98];
	s0 =	simm.s32 @p0 $0x1  }
0x13: {  	[smem:$0x3FB3] =	sst s0;
	s0 =	simm.s32 @!p1 $0x0  }
0x14: {  	s2 =	sld [smem:$0x3F97];
	s0 =	simm.s32 @p1 $0x1  }
0x15: {  	[smem:$0x3FB4] =	sst s0;
	s0 =	simm.s32 @!p2 $0x0  }
0x16: {  	s3 =	sld [smem:$0x3FDB];
	s0 =	simm.s32 @p2 $0x1  }
0x17: {  	s4 =	simm.s32 $0x1BF5;
	[smem:$0x3FB6] =	sst s0  }
0x18: {  	s0 =	sld [smem:$0x3F99];
	_ =	swait.ge [sflag:s4], $0x0  }
0x19: {  	s7 =	sld [smem:$0x3F9A]  }
0x1a: {  	s8 =	sadd.s32 $0xFFFFE003, lr  }
0x1b: {  	s9 =	sadd.s32 $0xFFFFFEF7, lr;
	s5 =	simm.s32 $0xFFFFFFFF;
	p2 =	slt.u32 s8, $0xFFFFF086  }
0x1c: {  	p1 =	slt.u32 s9, $0xF7A;
	s5 =	simm.s32 @!p2 $0x0  }
0x1d: {  	s5 =	simm.s32 @p1 $0x1;
	p0 =	seq.s32 s7, s2  }
0x1e: {  	s7 =	smul.u32 @!p0 $0xF7A, s2;
	p2 =	seq.s32 @!p0 s5, $0x0  }
0x1f: {  	s9 =	smul.u32 $0xF7A, s1;
	s8 =	simm.s32 @!p0 $0x1BF5;
	p2 =	por !p2, p0  }
0x20: {  	[sflag:s8] =	ssyncset.s32 @!p0 $0xFFFFF086;
	s6 =	sadd.s32 @!p0 s3, s7;
	s7 =	simm.s32 @!p0 $0x108  }
0x21: {  	s3 =	sadd.s32 s3, s9;
	s6 =	sadd.s32 @!p0 $0x88, s6;
	s7 =	simm.s32 @p2 $0x1082  }
0x22: {  	[simem:s7], [sflag:s8] =	dma.local @!p0 [hbm:s6], $0xF7A  }
0x23: {  	s9 =	sor.u32 $0xD0000000, s2;
	s6 =	simm.s32 $0x108;
	_ =	swait.ge @!p0 [sflag:s8], $0x0  }
0x24: {  	s3 =	sadd.s32 $0x88, s3;
	s6 =	simm.s32 @!p1 $0x1082;
	[sflag:s4] =	ssyncset.s32 $0xFFFFF086  }
0x25: {  	[simem:s6], [sflag:s4] =	dma.local [hbm:s3], $0xF7A  }
0x26: {  	[smem:$0x3F9A] =	sst s1;
	(tag) =	ssettag s2;
	_ =	strace s9  }
0x27: {  	s1 =	sld [smem:$0x3FAA]  }
0x28: {  	s2 =	sld [smem:$0x3FAB]  }
0x29: {  	s4 =	sld [smem:$0x3FAD]  }
0x2a: {  	p0 =	seq.s32 s5, $0x0;
	s5 =	sld [smem:$0x3FAE]  }
0x2b: {  	s6 =	sld [smem:$0x3FAF]  }
0x2c: {  	s7 =	sld [smem:$0x3FB0]  }
0x2d: {  	s3 =	simm.s32 $0x108;
	s8 =	sld [smem:$0x3FB1]  }
0x2e: {  	s3 =	simm.s32 @!p0 $0x1082;
	s9 =	sld [smem:$0x3FB2]  }
0x2f: {  	lr =	sadd.s32 s0, s3;
	s0 =	sld [smem:$0x3FA9]  }
0x30: {  	s3 =	sld [smem:$0x3FAC]  }
0x31: {  	[smem:$0x3FB5] =	sst s10  }
0x32: {  	s10 =	sld [smem:$0x3FB3];
	_ =	sdelay $0x3  }
0x33: {  	p0 =	seq.s32 s10, $0x1;
	s10 =	sld [smem:$0x3FB5];
	_ =	sdelay $0x3  }
0x34: {  	[smem:$0x3FB5] =	sst s10  }
0x35: {  	s10 =	sld [smem:$0x3FB4];
	_ =	sdelay $0x3  }
0x36: {  	p1 =	seq.s32 s10, $0x1;
	s10 =	sld [smem:$0x3FB5];
	_ =	sdelay $0x3  }
0x37: {  	[smem:$0x3FB5] =	sst s10  }
0x38: {  	s10 =	sld [smem:$0x3FB6]  }
0x39: {  	_ = 	snop;
	(pc) =	sbr.ind lr, $3  }
0x3a: {  	_ = 	snop  }
0x3b: {  	_ = 	snop  }
0x3c: {  	p2 =	seq.s32 s10, $0x1;
	s10 =	sld [smem:$0x3FB5]  }
0x3d: {  	_ =	shalt  }
0x3e: {  	_ =	shalt  }
0x3f: {  	_ =	shalt  }
0x40: {  	_ =	shalt  }
0x41: {  	_ =	shalt  }
0x42: {  	_ =	shalt  }
0x43: {  	_ =	shalt  }
0x44: {  	_ =	shalt  }
0x45: {  	_ =	shalt  }
0x46: {  	_ =	shalt  }
0x47: {  	_ =	shalt  }
0x48: {  	_ =	shalt  }
0x49: {  	_ =	shalt  }
0x4a: {  	_ =	shalt  }
0x4b: {  	_ =	shalt  }
0x4c: {  	_ =	shalt  }
0x4d: {  	_ =	shalt  }
0x4e: {  	_ =	shalt  }
0x4f: {  	_ =	shalt  }
0x50: {  	_ =	shalt  }
0x51: {  	_ =	shalt  }
0x52: {  	_ =	shalt  }
0x53: {  	_ =	shalt  }
0x54: {  	_ =	shalt  }
0x55: {  	_ =	shalt  }
0x56: {  	_ =	shalt  }
0x57: {  	_ =	shalt  }
0x58: {  	_ =	shalt  }
0x59: {  	_ =	shalt  }
0x5a: {  	_ =	shalt  }
0x5b: {  	_ =	shalt  }
0x5c: {  	_ =	shalt  }
0x5d: {  	_ =	shalt  }
0x5e: {  	_ =	shalt  }
0x5f: {  	_ =	shalt  }
0x60: {  	_ =	shalt  }
0x61: {  	_ =	shalt  }
0x62: {  	_ =	shalt  }
0x63: {  	_ =	shalt  }
0x64: {  	_ =	shalt  }
0x65: {  	_ =	shalt  }
0x66: {  	_ =	shalt  }
0x67: {  	_ =	shalt  }
0x68: {  	_ =	shalt  }
0x69: {  	_ =	shalt  }
0x6a: {  	_ =	shalt  }
0x6b: {  	_ =	shalt  }
0x6c: {  	_ =	shalt  }
0x6d: {  	_ =	shalt  }
0x6e: {  	_ =	shalt  }
0x6f: {  	_ =	shalt  }
0x70: {  	_ =	shalt  }
0x71: {  	_ =	shalt  }
0x72: {  	_ =	shalt  }
0x73: {  	_ =	shalt  }
0x74: {  	_ =	shalt  }
0x75: {  	_ =	shalt  }
0x76: {  	_ =	shalt  }
0x77: {  	_ =	shalt  }
0x78: {  	_ =	shalt  }
0x79: {  	_ =	shalt  }
0x7a: {  	_ =	shalt  }
0x7b: {  	_ =	shalt  }
0x7c: {  	_ =	shalt  }
0x7d: {  	_ =	shalt  }
0x7e: {  	_ =	shalt  }
0x7f: {  	_ =	shalt  }
0x80: {  	_ =	shalt  }
0x81: {  	_ =	shalt  }
0x82: {  	_ =	shalt  }
0x83: {  	_ =	shalt  }
0x84: {  	_ =	shalt  }
0x85: {  	_ =	shalt  }
0x86: {  	_ =	shalt  }
0x87: {  	_ =	shalt  }
.Lfunc_end0:
.L_simem_size_0:
called_computation_lowered:
.L_overlay_start_0:
0x88: {  	s2 =	sld [smem:$0x3FD9]  }
0x89: {  	s3 =	sld [smem:$0x3FFE];
	_ =	sdelay $0x1  }
0x8a: {  	s1 =	srdreg.scid  }
0x8b: {  	s0 =	sand.u32 $0x1, s1  }
0x8c: {  	s17 =	sshll.u32 s0, $0xA;
	s2 =	sadd.s32 s3, s2  }
0x8d: {  	s2 =	sadd.s32 s2, s17  }
0x8e: {  	[smem:$0x3FC1] =	sst s2  }
0x8f: {  	_ = 	snop  }
0x90: {  	s2 =	sld [smem:$0x3FC9]  }
0x91: {  	s18 =	sld [smem:$0x3FC8]  }
0x92: {  	s4 =	sld [smem:$0x3FD0];
	(tm) =	ssettm $0x1  }
0x93: {  	s5 =	sld [smem:$0x3FFB];
	_ =	sdelay $0x3  }
0x94: {  	_ =	strace s5  }
0x95: {  	s5 =	sld [smem:$0x3FFC];
	_ =	sdelay $0x3  }
0x96: {  	_ =	strace s5  }
0x97: {  	s5 =	sld [smem:$0x3FFD];
	_ =	sdelay $0x3  }
0x98: {  	_ =	strace s5  }
0x99: {  	_ =	strace $0x8FFFFFFF  }
0x9a: {  	s19 =	sld [smem:$0x3FDB];
	_ =	sdelay $0x1  }
0x9b: {  	s6 =	simm.s32 $_scs_section_size  }
0x9c: {  	s7 =	simm.s32 $_size__tile_overlayer_lowered;
	s8 =	simm.s32 $_tile_overlayer_lowered  }
0x9d: {  	s22 =	simm.s32 $0x1BFF;
	s21 =	sshll.u32 s8, $0x1;
	s5 =	sadd.s32 s6, s19  }
0x9e: {  	s9 =	simm.s32 $0x0;
	s20 =	sshll.u32 s7, $0x1;
	s7 =	sadd.s32 s21, s5  }
0x9f: {  	[timem:s9], [sflag:s22] =	dma.local [hbm:s7], s20  }
0xa0: {  	_ =	swait.ge [sflag:s22], s20  }
0xa1: {  	s6 =	ssub.s32 $0x0, s20;
	[sflag:s22] =	ssyncset.done $0x0  }
0xa2: {  	[sflag:s22] =	ssyncadd.s32 s6;
	_ =	sdelay $0x1  }
0xa3: {  	s23 =	simm.s32 $0x1B8B  }
0xa4: {  	_ =	swait.ge [sflag:s23], $0x1  }
0xa5: {  	[sflag:s23] =	ssyncset.done $0x0  }
0xa6: {  	s25 =	simm.s32 $0x1B8E;
	s24 =	sld [smem:$0x3FFE];
	[sflag:s23] =	ssyncadd.s32 $0xFFFFFFFF  }
0xa7: {  	s26 =	simm.s32 $execute0_lowered;
	[smem:$0x3FD2] =	sst s25  }
0xa8: {  	s7 =	sshll.u32 s26, $0x1;
	_ =	strace $0x80000046;
	[dreg:$0x1] =	wrdreg $0xFFFFFFFF  }
0xa9: {  	s28 =	simm.s32 $_size_execute0_lowered;
	s5 =	sadd.s32 s5, s7;
	[dreg:$0x0] =	wrdreg $0x0  }
0xaa: {  	s7 =	sshll.u32 s28, $0x1;
	[dreg:$0x2] =	wrdreg s5  }
0xab: {  	[dreg:$0x3] =	wrdreg s7  }
0xac: {  	[dreg:$0x4] =	wrdreg $0xC0  }
0xad: {  	_ =	task [dreg:s9], $0x5FFFF  }
0xae: {  	[dreg:$0x1] =	wrdreg $0xFFFFFFFF  }
0xaf: {  	[dreg:$0x0] =	wrdreg $0x60  }
0xb0: {  	[dreg:$0x2] =	wrdreg s2  }
0xb1: {  	[dreg:$0x3] =	wrdreg s18  }
0xb2: {  	[dreg:$0x4] =	wrdreg s24  }
0xb3: {  	[dreg:$0x5] =	wrdreg s4  }
0xb4: {  	[dreg:$0x6] =	wrdreg $0x9  }
0xb5: {  	_ =	task.clear_ibuf [dreg:s9], $0x7FFFF;
	_ =	strace $0x90000046  }
0xb6: {  	s29 =	simm.s32 $0x9;
	_ =	strace $0x80000048  }
0xb7: {  	_ =	swait.ge [sflag:s29], $0x1  }
0xb8: {  	[sflag:s29] =	ssyncadd.s32 $0xFFFFFFFF  }
0xb9: {  	_ =	strace $0x90000048  }
0xba: {  	_ =	sfence  }
0xbb: {  	s30 =	sld [smem:$0x0];
	_ =	sdelay $0x2  }
0xbc: {  	s31 =	sshll.u32 s1, $0xD;
	s1 =	sshrl.u32 s1, $0x2  }
0xbd: {  	s3 =	sand.u32 $0x4000, s31;
	s1 =	sadd.s32 s1, s30  }
0xbe: {  	s0 =	sor.u32 s3, s0;
	s1 =	sshll.u32 s1, $0x11  }
0xbf: {  	s0 =	sor.u32 s1, s0  }
0xc0: {  	s0 =	sadd.s32 $0x8F2B, s0  }
0xc1: {  	[sflag:s0] =	ssyncadd.remote.s32 $0x1  }
0xc2: {  	_ =	sfence.sel $0xFFFF  }
0xc3: {  	[dreg:$0x0] =	wrdreg $0xFFFFFFFF;
	(pc) =	sbr.abs _section_cstart, $3  }
0xc4: {  	[dreg:$0x1] =	wrdreg $0xFFFFFFFF  }
0xc5: {  	_ =	task.clear_ibuf [dreg:s9], $0x2FFFF;
	_ =	strace $0x9FFFFFFF  }
0xc6: {  	(tm) =	ssettm $0x7FFFFFFF  }
0xc7: {  	_ =	shalt  }
tec
execute0_lowered:
.L_overlay_start_1:
0x0: {  	(tag) =	ssettag $0x1  }
0x1: {  	s8 =	rddreg [dreg:$0x0]  }
0x2: {  	s9 =	rddreg [dreg:$0x1]  }
0x3: {  	s1 =	rddreg [dreg:$0x2]  }
0x4: {  	s10 =	rddreg [dreg:$0x3]  }
0x5: {  	s0 =	rddreg [dreg:$0x4]  }
0x6: {  	s2 =	simm.s32 $0x0;
	s7 =	srdreg.scid;
	s3 =	stileid.u32  }
0x7: {  	s15 =	simm.s32 $0x8400;
	s16 =	simm.s32 $0x10400;
	s17 =	simm.s32 $0x10600  }
0x8: {  	s18 =	simm.s32 $0x10800;
	s19 =	simm.s32 $0x1;
	s20 =	simm.s32 $0x10810  }
0x9: {  	s21 =	simm.s32 $0x0;
	[smem:$0x7FF] =	sst s2;
	s4 =	sadd.s32 $0x16E3600, s1  }
0xa: {  	s5 =	sadd.s32 $0xF42400, s1;
	s6 =	sadd.s32 $0x1EA00, s1;
	s7 =	sand.u32 $0x1, s7  }
0xb: {  	s12 =	sshll.u32 s3, $0x7;
	_ =	strace $0x80000047;
	s11 =	ssub.s32 $0x2, s7  }
0xc: {  	s13 =	sshll.u32 s7, $0x6;
	s7 =	sadd.s32 $0x3D400, s1;
	s14 =	sshrl.u32 s11, $0x1  }
0xd: {  	s12 =	sor.u32 s13, s12;
	s13 =	simm.s32 $0x200;
	s11 =	ssub.s32 s11, s14  }
0xe: {  	v0 =	vlaneseq.u32;
	s8 =	sadd.s32 s8, s12;
	s9 =	sadd.s32 s9, s12;
	s10 =	sadd.s32 s10, s12  }
0xf: {  	v0 =	vmul.u32 $0x40, v0;
	s12 =	simm.s32 $0x2;
	s14 =	simm.s32 $0x400;
	s11 =	smax.u32 s11, $0x1  }
.LBB2_1:
0x10: {  	[tilespmem:s2], [sflag:$0x2] =	stream.linear.gather [hbm4b:s8+s2], $0x200, $0x38;
	[tilespmem:$0x10A10] =	vst v63  }
0x11: {  	_ =	swait.ge [sflag:s12], $0x200  }
0x12: {  	[sflag:s12] =	ssyncset.done $0x0  }
0x13: {  	[sflag:s12] =	ssyncadd.s32 $0xFFFFFE00  }
0x14: {  	[tilespmem:s13], [sflag:$0x2] =	stream.linear.gather [hbm4b:s9+s2], $0x200, $0x38;
	[tilespmem:$0x10A10] =	vst v63  }
0x15: {  	_ =	swait.ge [sflag:s12], $0x200  }
0x16: {  	[sflag:s12] =	ssyncset.done $0x0  }
0x17: {  	[sflag:s12] =	ssyncadd.s32 $0xFFFFFE00  }
0x18: {  	[tilespmem:s14], [sflag:$0x1] =	stream.indirect.gather [hbm4b:s4+s13], $0x40, s2, s13, $0xb8;
	[tilespmem:$0x10A10] =	vst v63  }
0x19: {  	_ = 	snop  }
0x1a: {  	[tilespmem:s15], [sflag:$0x1] =	stream.indirect.gather [hbm4b:s5+s13], $0x40, s13, s13, $0xb8;
	[tilespmem:$0x10A10] =	vst v63  }
0x1b: {  	_ = 	snop  }
0x1c: {  	[tilespmem:s16], [sflag:$0x1] =	stream.indirect.gather [hbm4b:s6+s13], $0x1, s2, s13, $0xb8;
	[tilespmem:$0x10A10] =	vst v63  }
0x1d: {  	_ = 	snop  }
0x1e: {  	[tilespmem:s17], [sflag:$0x1] =	stream.indirect.gather [hbm4b:s1+s13], $0x1, s13, s13, $0xb8;
	[tilespmem:$0x10A10] =	vst v63  }
0x1f: {  	_ = 	snop  }
0x20: {  	[tilespmem:s18], [sflag:$0x2] =	stream.linear.gather [hbm4b:s7+s2], $0x10, $0x38;
	[tilespmem:$0x10A10] =	vst v63  }
0x21: {  	_ =	swait.ge [sflag:s12], $0x10  }
0x22: {  	[sflag:s12] =	ssyncset.done $0x0  }
0x23: {  	[sflag:s12] =	ssyncadd.s32 $0xFFFFFFF0  }
0x24: {  	_ =	swait.ge [sflag:s19], $0x8000  }
0x25: {  	[sflag:s19] =	ssyncset.done $0x0  }
0x26: {  	[sflag:s19] =	ssyncadd.s32 $0xFFFF8000  }
0x27: {  	_ =	swait.ge [sflag:s19], $0x8000  }
0x28: {  	[sflag:s19] =	ssyncset.done $0x0  }
0x29: {  	[sflag:s19] =	ssyncadd.s32 $0xFFFF8000  }
0x2a: {  	_ =	swait.ge [sflag:s19], $0x200  }
0x2b: {  	[sflag:s19] =	ssyncset.done $0x0  }
0x2c: {  	[sflag:s19] =	ssyncadd.s32 $0xFFFFFE00  }
0x2d: {  	_ =	swait.ge [sflag:s19], $0x200  }
0x2e: {  	[sflag:s19] =	ssyncset.done $0x0  }
0x2f: {  	[sflag:s19] =	ssyncadd.s32 $0xFFFFFE00  }
0x30: {  	s22 =	simm.s32 $0x0;
	v1 =	vld [tilespmem:$0x10800]  }
.LBB2_2:
0x31: {  	s24 =	simm.s32 $0x0  }
0x32: {  	s23 =	sshll.u32 s22, $0x4;
	v2 =	vmov s24  }
0x33: {  	v3 =	vmov s23;
	v2 =	vand.u32 $0x3F, v2  }
0x34: {  	v3 =	vshll.u32 v3, $0x6;
	v4 =	vbroadcast v2, $0x0  }
0x35: {  	v2 =	vor.u32 v0, v3  }
0x36: {  	s30 =	simm.s32 $0x1;
	v3 =	vor.u32 v2, v4  }
0x37: {  	v4 =	vmov s30  }
0x38: {  	v4 =	vand.u32 $0x3F, v4  }
0x39: {  	v5 =	vld [tilespmem:s23+$0x10400];
	v4 =	vbroadcast v4, $0x0  }
0x3a: {  	v6 =	vld [tilespmem:s23+$0x10600]  }
0x3b: {  	v8 =	vor.u32 v2, v4;
	v7 =	vld.idx.msk [tilespmem:v3+s14+$0x0], $0xffff  }
0x3c: {  	s31 =	simm.s32 $0x2;
	v9 =	vld.idx.msk [tilespmem:v3+s15+$0x0], $0xffff  }
0x3d: {  	v3 =	vmov s31  }
0x3e: {  	v3 =	vand.u32 $0x3F, v3  }
0x3f: {  	v4 =	vadd.f32 v6, v5;
	v5 =	vbroadcast v3, $0x0  }
0x40: {  	v3 =	vld.idx.msk [tilespmem:v8+s14+$0x0], $0xffff  }
0x41: {  	s24 =	simm.s32 $0x3;
	v4 =	vadd.f32 v4, v1;
	v6 =	vor.u32 v2, v5;
	v5 =	vld.idx.msk [tilespmem:v8+s15+$0x0], $0xffff;
	v7 =	vmul.f32 v9, v7  }
.LBB2_3:
0x42: {  	p0 =	sne.s32 s24, $0x3F  }
.Ltmp0:
0x43: {  	v8 =	vmov s24;
	v4 =	vadd.f32 v7, v4;
	(pc) =	sbr.rel @p0 .LBB2_3-.Ltmp0, $4  }
0x44: {  	s24 =	sadd.s32 $0x1, s24;
	v9 =	vand.u32 $0x3F, v8  }
0x45: {  	v8 =	vbroadcast v9, $0x0  }
0x46: {  	v7 =	vmov v3;
	v3 =	vld.idx.msk [tilespmem:v6+s14+$0x0], $0xffff  }
0x47: {  	v7 =	vmul.f32 v5, v7;
	v5 =	vld.idx.msk [tilespmem:v6+s15+$0x0], $0xffff;
	v6 =	vor.u32 v2, v8  }
0x48: {  	_ =	sdelay $0x3  }
0x49: {  	v2 =	vld.idx.msk [tilespmem:v6+s14+$0x0], $0xffff  }
0x4a: {  	v63 =	vld.idx.msk [tilespmem:v6+s15+$0x0], $0xffff;
	_ =	sdelay $0x2  }
0x4b: {  	s22 =	sadd.s32 $0x1, s22;
	v4 =	vadd.f32 v7, v4;
	v3 =	vmul.f32 v5, v3  }
0x4c: {  	p0 =	sne.s32 s22, $0x20  }
.Ltmp1:
0x4d: {  	v2 =	vmul.f32 v63, v2;
	v3 =	vadd.f32 v3, v4;
	(pc) =	sbr.rel @p0 .LBB2_2-.Ltmp1, $3  }
0x4e: {  	_ = 	snop  }
0x4f: {  	v2 =	vadd.f32 v2, v3;
	_ =	sdelay $0x1  }
0x50: {  	[tilespmem:s23+$0x10810] =	vst v2  }
0x51: {  	s21 =	sadd.s32 $0x1, s21  }
0x52: {  	p0 =	sne.s32 s21, s11  }
.Ltmp2:
0x53: {  	_ = 	snop;
	(pc) =	sbr.rel @p0 .LBB2_1-.Ltmp2, $4  }
0x54: {  	[hbm4b:s10+s2] =	stream.linear.scatter [tilespmem:s20], [sflag:$0x2], $0x200, $0x38;
	[tilespmem:$0x10A10] =	vst v63  }
0x55: {  	_ =	swait.ge [sflag:s12], $0x200  }
0x56: {  	[sflag:s12] =	ssyncset.done $0x0  }
0x57: {  	[sflag:s12] =	ssyncadd.s32 $0xFFFFFE00  }
0x58: {  	_ =	sfence.sel $0x180000  }
0x59: {  	[bflag:$0x0] =	sbarrier.arrive $0xFFFF  }
0x5a: {  	p0 =	sne.s32 s3, $0x0;
	_ =	strace $0x90000047  }
0x5b: {  	s0 =	sadd.s32 @!p0 $0x100000, s0;
	[bflag:$0x2] =	sbarrier.arrive $0xFFFF  }
0x5c: {  	[sflag:s0] =	ssyncadd.tile.s32 @!p0 $0x1;
	_ =	shalt  }
.Lfunc_end2:
_tile_overlayer_lowered:
.L_overlay_start_2:
0x5d: {  	(tag) =	ssettag $0x2  }
0x5e: {  	s0 =	rddreg [dreg:$0x0];
	s2 =	stileid.u32  }
0x5f: {  	s1 =	rddreg [dreg:$0x1];
	p0 =	sne.s32 s2, $0x0  }
0x60: {  	s3 =	rddreg [dreg:$0x2];
	[bflag:$0x3] =	sbarrier.arrive $0xFFFF;
	s2 =	simm.s32 @!p0 $0x1C02  }
0x61: {  	[timem:s3], [sflag:s2] =	dma.local @!p0 [hbm:s0], s1  }
0x62: {  	s0 =	simm.s32 @!p0 $0x2  }
0x63: {  	_ =	swait.ge @!p0 [sflag:s0], s1  }
0x64: {  	s1 =	ssub.s32 @!p0 $0x0, s1;
	[sflag:s0] =	ssyncset.done @!p0 $0x0  }
0x65: {  	[sflag:s0] =	ssyncadd.s32 @!p0 s1  }
0x66: {  	[bflag:$0x3] =	sbarrier.arrive $0xFFFF  }
0x67: {  	_ =	shalt  }

</sc_bundles>
